<compile_context>
chip_gen: v7x
topology: tpu7x:2x2x1
jax: 0.10.2.dev20260603
libtpu: 0.0.44.dev20260713+nightly
codegen_flags: <defaults>
</compile_context>

<pallas_src>
import jax
import jax.numpy as jnp
from jax import lax
from jax.experimental import pallas as pl
from jax.experimental.pallas import tpu as pltpu
from jax.experimental.pallas import tpu_sc as plsc

VOCAB = 8192
HIDDEN = 256
GEN_HIDDEN = 4096
NUM_TOKENS = 8192
HALF = HIDDEN // 2

NUM_WORKERS = 32
TOK_PER_W = NUM_TOKENS // NUM_WORKERS
IDX_CHUNK = 128

TILE_M = 1024
GRID_M = NUM_TOKENS // TILE_M

PACK_TILE = 2048
PACK_GRID = VOCAB // PACK_TILE


def _sc_gather_body(ids_hbm, table_hbm, out_hbm, idx_v, rows_v, sem):
    wid = lax.axis_index("s") * 2 + lax.axis_index("c")
    base = wid * TOK_PER_W
    pltpu.sync_copy(ids_hbm.at[pl.ds(base, TOK_PER_W)], idx_v)
    copies = []
    for j in range(TOK_PER_W // IDX_CHUNK):
        sl = pl.ds(j * IDX_CHUNK, IDX_CHUNK)
        copies.append(
            pltpu.async_copy(table_hbm.at[idx_v.at[sl]], rows_v.at[sl], sem)
        )
    for c in copies:
        c.wait()
    pltpu.sync_copy(rows_v, out_hbm.at[pl.ds(base, TOK_PER_W)])


def _sc_gather(ids_flat, table_i32):
    mesh = plsc.VectorSubcoreMesh(core_axis_name="c", subcore_axis_name="s")
    fn = pl.kernel(
        _sc_gather_body,
        out_type=jax.ShapeDtypeStruct((NUM_TOKENS, HALF), jnp.int32),
        mesh=mesh,
        scratch_types=[
            pltpu.VMEM((TOK_PER_W,), jnp.int32),
            pltpu.VMEM((TOK_PER_W, HALF), jnp.int32),
            pltpu.SemaphoreType.DMA,
        ],
    )
    return fn(ids_flat, table_i32)


def _pack_body(e_ref, out_ref):
    f32 = jnp.float32
    e = e_ref[...]
    lo = pltpu.bitcast(e[:, :HALF].astype(f32), jnp.uint32) >> 16
    hi = pltpu.bitcast(e[:, HALF:].astype(f32), jnp.uint32) & jnp.uint32(
        0xFFFF0000
    )
    out_ref[...] = pltpu.bitcast(lo | hi, jnp.int32)


def _pack_table(embedding):
    return pl.pallas_call(
        _pack_body,
        grid=(PACK_GRID,),
        in_specs=[pl.BlockSpec((PACK_TILE, HIDDEN), lambda i: (i, 0))],
        out_specs=pl.BlockSpec((PACK_TILE, HALF), lambda i: (i, 0)),
        out_shape=jax.ShapeDtypeStruct((VOCAB, HALF), jnp.int32),
    )(embedding)


def _tc_mse_body(x_ref, w_ref, b_ref, l_ref, out_ref):
    i = pl.program_id(0)
    f32 = jnp.float32
    bf16 = jnp.bfloat16
    acc = lax.dot_general(
        x_ref[...], w_ref[...],
        dimension_numbers=(((1,), (1,)), ((), ())),
        preferred_element_type=f32,
    ).astype(bf16)
    feat = (acc.astype(f32) + b_ref[...].astype(f32)).astype(bf16)
    words = l_ref[...]
    lab_lo = pltpu.bitcast(words << 16, f32)
    lab_hi = pltpu.bitcast(words & jnp.int32(-65536), f32)
    f_lo = feat[:, :HALF].astype(f32)
    f_hi = feat[:, HALF:].astype(f32)
    d_lo = (f_lo - lab_lo).astype(bf16).astype(f32)
    d_hi = (f_hi - lab_hi).astype(bf16).astype(f32)
    part = jnp.sum((d_lo * d_lo).astype(bf16).astype(f32)) + jnp.sum(
        (d_hi * d_hi).astype(bf16).astype(f32)
    )

    @pl.when(i == 0)
    def _():
        out_ref[0, 0] = 0.0

    out_ref[0, 0] += part

    @pl.when(i == GRID_M - 1)
    def _():
        out_ref[0, 0] = out_ref[0, 0] * (1.0 / (NUM_TOKENS * HIDDEN))


def _tc_mse(x, w, b2d, labels_i32):
    return pl.pallas_call(
        _tc_mse_body,
        grid=(GRID_M,),
        in_specs=[
            pl.BlockSpec((TILE_M, GEN_HIDDEN), lambda i: (i, 0)),
            pl.BlockSpec((HIDDEN, GEN_HIDDEN), lambda i: (0, 0)),
            pl.BlockSpec((1, HIDDEN), lambda i: (0, 0)),
            pl.BlockSpec((TILE_M, HALF), lambda i: (i, 0)),
        ],
        out_specs=pl.BlockSpec(memory_space=pltpu.SMEM),
        out_shape=jax.ShapeDtypeStruct((1, 1), jnp.float32),
    )(x, w, b2d, labels_i32)


def kernel(input_ids, generated_hidden_states, embedding, W, b):
    ids_flat = input_ids.reshape(NUM_TOKENS).astype(jnp.int32) - 4
    table_i32 = _pack_table(embedding)
    labels_i32 = _sc_gather(ids_flat, table_i32)
    x = generated_hidden_states.reshape(NUM_TOKENS, GEN_HIDDEN)
    out = _tc_mse(x, W, b.reshape(1, HIDDEN), labels_i32)
    return out.reshape(()).astype(jnp.bfloat16)

# --- scband reference (transcript-rebuilt; emitter-appended) ---
"""Pipeline reference for scband-perception-loss-66417374265719 (READ-ONLY COPY).

The authoritative reference and input builder live on the scoring server;
editing this copy changes nothing except your own understanding.
"""

import jax, jax.numpy as jnp
import numpy as np

VOCAB = 8192
HIDDEN = 256
GEN_HIDDEN = 4096
B = 8
S = 1024


def setup_inputs(seed: int = 0) -> dict:
    key = jax.random.key(seed)
    k1, k2, k3, k4, k5 = jax.random.split(key, 5)
    # input_ids must satisfy (input_ids - 4) in [0, VOCAB); offset by +4
    input_ids = jax.random.randint(k1, (B, S), 0, VOCAB - 4, dtype=jnp.int64 if jax.config.jax_enable_x64 else jnp.int32) + 4
    generated_hidden_states = jax.random.normal(k2, (B, S, GEN_HIDDEN), dtype=jnp.float32).astype(jnp.bfloat16)
    # frozen pretrained embedding table (stand-in for torch.load(embed_path))
    embedding = (jax.random.normal(k3, (VOCAB, HIDDEN), dtype=jnp.float32) * 0.02).astype(jnp.bfloat16)
    # nn.Linear(4096, 256): weight [out, in], bias [out]
    bound = 1.0 / np.sqrt(GEN_HIDDEN)
    W = (jax.random.uniform(k4, (HIDDEN, GEN_HIDDEN), minval=-bound, maxval=bound, dtype=jnp.float32)).astype(jnp.bfloat16)
    b = (jax.random.uniform(k5, (HIDDEN,), minval=-bound, maxval=bound, dtype=jnp.float32)).astype(jnp.bfloat16)
    return {"input_ids": input_ids, "generated_hidden_states": generated_hidden_states, "embedding": embedding, "W": W, "b": b}


def reference(input_ids, generated_hidden_states, embedding, W, b):
    assert input_ids.shape[1] == 1024
    assert generated_hidden_states.shape[1] == 1024
    # labels = self.embedding(input_ids - 4)  (frozen, bf16)
    labels = jnp.take(embedding, input_ids - 4, axis=0)
    # features = self.states_to_hidden(generated_hidden_states)
    features = jnp.dot(generated_hidden_states, W.T) + b
    # nn.MSELoss() -> mean over all elements
    diff = features - labels
    return jnp.mean(diff * diff)

if __name__ == "__main__":
    import jax
    _d = setup_inputs()
    print(jax.jit(kernel)(*tuple(_d.values())))

</pallas_src>

<mosaic_0001>
#map = affine_map<(d0, d1) -> (0)>
#map1 = affine_map<(d0, d1) -> (0, 0)>
module attributes {stable_mosaic.version = 14 : i64} {
  func.func @_sc_gather_body(%arg0: i32, %arg1: i32, %arg2: memref<8192xi32, #tpu.memory_space<hbm>>, %arg3: memref<8192x128xi32, #tpu.memory_space<hbm>>, %arg4: memref<8192x128xi32, #tpu.memory_space<hbm>>, %arg5: memref<256xi32, #tpu.memory_space<vmem>>, %arg6: memref<256x128xi32, #tpu.memory_space<vmem>>, %arg7: memref<!tpu.dma_semaphore, #tpu.memory_space<semaphore_mem>>) attributes {dimension_semantics = [#tpu.dimension_semantics<core_parallel>, #tpu.dimension_semantics<subcore_parallel>], iteration_bounds = array<i64: 2, 16>, scalar_prefetch = 0 : i64, scratch_operands = 3 : i64, tpu.core_type = #tpu.core_type<sc_vector_subcore>, window_params = [{transform_indices = #map}, {transform_indices = #map1}, {transform_indices = #map1}]} {
    %mul3A = arith.constant 2 : i32
    %mul3A_0 = arith.muli %arg1, %mul3A : i32
    %add3A = arith.addi %mul3A_0, %arg0 : i32
    %mul3A_1 = arith.constant 256 : i32
    %mul3A_2 = arith.muli %add3A, %mul3A_1 : i32
    "tpu.region"() ({
      %run_scoped3A = tpu.sem_alloc : memref<!tpu.dma_semaphore, #tpu.memory_space<semaphore_mem>>
      %dma_start3A_33 = tpu.memref_slice %arg2[%mul3A_2] : memref<8192xi32, #tpu.memory_space<hbm>> -> memref<256xi32, #tpu.memory_space<hbm>>
      %dma_start3A_34 = tpu.memref_slice %arg2[%mul3A_2] : memref<8192xi32, #tpu.memory_space<hbm>> -> memref<256xi32, #tpu.memory_space<hbm>>
      tpu.enqueue_dma source(%dma_start3A_34 : memref<256xi32, #tpu.memory_space<hbm>>) target(%arg5 : memref<256xi32, #tpu.memory_space<vmem>>) target_semaphore(%run_scoped3A : memref<!tpu.dma_semaphore, #tpu.memory_space<semaphore_mem>>)
      %dma_wait3A_35 = tpu.memref_slice %arg2[%mul3A_2] : memref<8192xi32, #tpu.memory_space<hbm>> -> memref<256xi32, #tpu.memory_space<hbm>>
      %dma_wait3A_36 = tpu.memref_slice %arg2[%mul3A_2] : memref<8192xi32, #tpu.memory_space<hbm>> -> memref<256xi32, #tpu.memory_space<hbm>>
      tpu.wait_dma2 semaphore(%run_scoped3A : memref<!tpu.dma_semaphore, #tpu.memory_space<semaphore_mem>>) src(%dma_wait3A_36 : memref<256xi32, #tpu.memory_space<hbm>>) dst(%arg5 : memref<256xi32, #tpu.memory_space<vmem>>)
      tpu.yield
    }) : () -> ()
    %dma_start3A = arith.constant 0 : i32
    %dma_start3A_3 = arith.constant 0 : i32
    %dma_start3A_4 = tpu.memref_slice %arg6[%dma_start3A, %dma_start3A_3] : memref<256x128xi32, #tpu.memory_space<vmem>> -> memref<128x128xi32, #tpu.memory_space<vmem>>
    %dma_start3A_5 = arith.constant 0 : i32
    %dma_start3A_6 = tpu.memref_slice %arg5[%dma_start3A_5] : memref<256xi32, #tpu.memory_space<vmem>> -> memref<128xi32, #tpu.memory_space<vmem>>
    %dma_start3A_7 = arith.constant 0 : i32
    %dma_start3A_8 = arith.constant 0 : i32
    %dma_start3A_9 = tpu.memref_slice %arg3[%dma_start3A_7, %dma_start3A_8] : memref<8192x128xi32, #tpu.memory_space<hbm>> -> memref<8192x128xi32, #tpu.memory_space<hbm>>
    tpu.enqueue_indirect_dma source(%dma_start3A_9 : memref<8192x128xi32, #tpu.memory_space<hbm>>) target(%dma_start3A_4 : memref<128x128xi32, #tpu.memory_space<vmem>>) offsets(%dma_start3A_6 : memref<128xi32, #tpu.memory_space<vmem>>) semaphore(%arg7 : memref<!tpu.dma_semaphore, #tpu.memory_space<semaphore_mem>>)
    %dma_start3A_10 = arith.constant 128 : i32
    %dma_start3A_11 = arith.constant 0 : i32
    %dma_start3A_12 = tpu.memref_slice %arg6[%dma_start3A_10, %dma_start3A_11] : memref<256x128xi32, #tpu.memory_space<vmem>> -> memref<128x128xi32, #tpu.memory_space<vmem>>
    %dma_start3A_13 = arith.constant 128 : i32
    %dma_start3A_14 = tpu.memref_slice %arg5[%dma_start3A_13] : memref<256xi32, #tpu.memory_space<vmem>> -> memref<128xi32, #tpu.memory_space<vmem>>
    %dma_start3A_15 = arith.constant 0 : i32
    %dma_start3A_16 = arith.constant 0 : i32
    %dma_start3A_17 = tpu.memref_slice %arg3[%dma_start3A_15, %dma_start3A_16] : memref<8192x128xi32, #tpu.memory_space<hbm>> -> memref<8192x128xi32, #tpu.memory_space<hbm>>
    tpu.enqueue_indirect_dma source(%dma_start3A_17 : memref<8192x128xi32, #tpu.memory_space<hbm>>) target(%dma_start3A_12 : memref<128x128xi32, #tpu.memory_space<vmem>>) offsets(%dma_start3A_14 : memref<128xi32, #tpu.memory_space<vmem>>) semaphore(%arg7 : memref<!tpu.dma_semaphore, #tpu.memory_space<semaphore_mem>>)
    %dma_wait3A = arith.constant 0 : i32
    %dma_wait3A_18 = arith.constant 0 : i32
    %dma_wait3A_19 = tpu.memref_slice %arg6[%dma_wait3A, %dma_wait3A_18] : memref<256x128xi32, #tpu.memory_space<vmem>> -> memref<128x128xi32, #tpu.memory_space<vmem>>
    %dma_wait3A_20 = arith.constant 0 : i32
    %dma_wait3A_21 = tpu.memref_slice %arg5[%dma_wait3A_20] : memref<256xi32, #tpu.memory_space<vmem>> -> memref<128xi32, #tpu.memory_space<vmem>>
    %dma_wait3A_22 = arith.constant 0 : i32
    %dma_wait3A_23 = arith.constant 0 : i32
    %dma_wait3A_24 = tpu.memref_slice %arg3[%dma_wait3A_22, %dma_wait3A_23] : memref<8192x128xi32, #tpu.memory_space<hbm>> -> memref<8192x128xi32, #tpu.memory_space<hbm>>
    tpu.wait_indirect_dma semaphore(%arg7 : memref<!tpu.dma_semaphore, #tpu.memory_space<semaphore_mem>>) src(%dma_wait3A_24 : memref<8192x128xi32, #tpu.memory_space<hbm>>) dst(%dma_wait3A_19 : memref<128x128xi32, #tpu.memory_space<vmem>>)
    %dma_wait3A_25 = arith.constant 128 : i32
    %dma_wait3A_26 = arith.constant 0 : i32
    %dma_wait3A_27 = tpu.memref_slice %arg6[%dma_wait3A_25, %dma_wait3A_26] : memref<256x128xi32, #tpu.memory_space<vmem>> -> memref<128x128xi32, #tpu.memory_space<vmem>>
    %dma_wait3A_28 = arith.constant 128 : i32
    %dma_wait3A_29 = tpu.memref_slice %arg5[%dma_wait3A_28] : memref<256xi32, #tpu.memory_space<vmem>> -> memref<128xi32, #tpu.memory_space<vmem>>
    %dma_wait3A_30 = arith.constant 0 : i32
    %dma_wait3A_31 = arith.constant 0 : i32
    %dma_wait3A_32 = tpu.memref_slice %arg3[%dma_wait3A_30, %dma_wait3A_31] : memref<8192x128xi32, #tpu.memory_space<hbm>> -> memref<8192x128xi32, #tpu.memory_space<hbm>>
    tpu.wait_indirect_dma semaphore(%arg7 : memref<!tpu.dma_semaphore, #tpu.memory_space<semaphore_mem>>) src(%dma_wait3A_32 : memref<8192x128xi32, #tpu.memory_space<hbm>>) dst(%dma_wait3A_27 : memref<128x128xi32, #tpu.memory_space<vmem>>)
    "tpu.region"() ({
      %run_scoped3A = tpu.sem_alloc : memref<!tpu.dma_semaphore, #tpu.memory_space<semaphore_mem>>
      %dma_start3A_33 = arith.constant 0 : i32
      %dma_start3A_34 = tpu.memref_slice %arg4[%mul3A_2, %dma_start3A_33] : memref<8192x128xi32, #tpu.memory_space<hbm>> -> memref<256x128xi32, #tpu.memory_space<hbm>>
      %dma_start3A_35 = arith.constant 0 : i32
      %dma_start3A_36 = tpu.memref_slice %arg4[%mul3A_2, %dma_start3A_35] : memref<8192x128xi32, #tpu.memory_space<hbm>> -> memref<256x128xi32, #tpu.memory_space<hbm>>
      tpu.enqueue_dma source(%arg6 : memref<256x128xi32, #tpu.memory_space<vmem>>) target(%dma_start3A_36 : memref<256x128xi32, #tpu.memory_space<hbm>>) target_semaphore(%run_scoped3A : memref<!tpu.dma_semaphore, #tpu.memory_space<semaphore_mem>>)
      %dma_wait3A_37 = arith.constant 0 : i32
      %dma_wait3A_38 = tpu.memref_slice %arg4[%mul3A_2, %dma_wait3A_37] : memref<8192x128xi32, #tpu.memory_space<hbm>> -> memref<256x128xi32, #tpu.memory_space<hbm>>
      %dma_wait3A_39 = arith.constant 0 : i32
      %dma_wait3A_40 = tpu.memref_slice %arg4[%mul3A_2, %dma_wait3A_39] : memref<8192x128xi32, #tpu.memory_space<hbm>> -> memref<256x128xi32, #tpu.memory_space<hbm>>
      tpu.wait_dma2 semaphore(%run_scoped3A : memref<!tpu.dma_semaphore, #tpu.memory_space<semaphore_mem>>) src(%arg6 : memref<256x128xi32, #tpu.memory_space<vmem>>) dst(%dma_wait3A_40 : memref<256x128xi32, #tpu.memory_space<hbm>>)
      tpu.yield
    }) : () -> ()
    return
  }
}

module attributes {stable_mosaic.version = 14 : i64} {
  func.func @_pack_body(%arg0: i32, %arg1: memref<2048x256xbf16, #tpu.memory_space<vmem>>, %arg2: memref<2048x128xi32, #tpu.memory_space<vmem>>) attributes {dimension_semantics = [#tpu.dimension_semantics<arbitrary>], iteration_bounds = array<i64: 4>, scalar_prefetch = 0 : i64, scratch_operands = 0 : i64, tpu.core_type = #tpu.core_type<tc>, window_params = [{transform_indices = @transform_0, window_bounds = array<i64: 2048, 256>}, {transform_indices = @transform_1, window_bounds = array<i64: 2048, 128>}]} {
    %get3A = arith.constant 0 : index
    %get3A_0 = arith.constant 0 : index
    %get3A_1 = vector.load %arg1[%get3A, %get3A_0] : memref<2048x256xbf16, #tpu.memory_space<vmem>>, vector<2048x256xbf16>
    %slice3A = vector.extract_strided_slice %get3A_1 {offsets = [0, 0], sizes = [2048, 128], strides = [1, 1]} : vector<2048x256xbf16> to vector<2048x128xbf16>
    %convert_element_type3A = arith.extf %slice3A : vector<2048x128xbf16> to vector<2048x128xf32>
    %bitcast3A = tpu.bitcast %convert_element_type3A : vector<2048x128xf32> -> vector<2048x128xi32>
    %shift_right_logical3A = arith.constant 16 : i32
    %shift_right_logical3A_2 = vector.broadcast %shift_right_logical3A : i32 to vector<2048x128xi32>
    %shift_right_logical3A_3 = arith.shrui %bitcast3A, %shift_right_logical3A_2 : vector<2048x128xi32>
    %slice3A_4 = vector.extract_strided_slice %get3A_1 {offsets = [0, 128], sizes = [2048, 128], strides = [1, 1]} : vector<2048x256xbf16> to vector<2048x128xbf16>
    %convert_element_type3A_5 = arith.extf %slice3A_4 : vector<2048x128xbf16> to vector<2048x128xf32>
    %bitcast3A_6 = tpu.bitcast %convert_element_type3A_5 : vector<2048x128xf32> -> vector<2048x128xi32>
    %and3A = arith.constant -65536 : i32
    %and3A_7 = vector.broadcast %and3A : i32 to vector<2048x128xi32>
    %and3A_8 = arith.andi %bitcast3A_6, %and3A_7 : vector<2048x128xi32>
    %or3A = arith.ori %shift_right_logical3A_3, %and3A_8 : vector<2048x128xi32>
    %bitcast3A_9 = tpu.bitcast %or3A : vector<2048x128xi32> -> vector<2048x128xi32>
    %swap3A = arith.constant 0 : index
    %swap3A_10 = arith.constant 0 : index
    %swap3A_11 = vector.load %arg2[%swap3A, %swap3A_10] : memref<2048x128xi32, #tpu.memory_space<vmem>>, vector<2048x128xi32>
    tpu.vector_store %arg2[%swap3A, %swap3A_10], %bitcast3A_9 {strides = array<i32>} : memref<2048x128xi32, #tpu.memory_space<vmem>>, vector<2048x128xi32>,
    return
  }
  func.func @transform_0(%arg0: i32) -> (i32, i32) {
    %c0_i32 = arith.constant 0 : i32
    %c0_i32_0 = arith.constant 0 : i32
    return %arg0, %c0_i32 : i32, i32
  }
  func.func @transform_1(%arg0: i32) -> (i32, i32) {
    %c0_i32 = arith.constant 0 : i32
    %c0_i32_0 = arith.constant 0 : i32
    return %arg0, %c0_i32 : i32, i32
  }
}

module attributes {stable_mosaic.version = 14 : i64} {
  func.func @_tc_mse_body(%arg0: i32, %arg1: memref<1024x4096xbf16, #tpu.memory_space<vmem>>, %arg2: memref<256x4096xbf16, #tpu.memory_space<vmem>>, %arg3: memref<1x256xbf16, #tpu.memory_space<vmem>>, %arg4: memref<1024x128xi32, #tpu.memory_space<vmem>>, %arg5: memref<1x1xf32, #tpu.memory_space<smem>>) attributes {dimension_semantics = [#tpu.dimension_semantics<arbitrary>], iteration_bounds = array<i64: 8>, scalar_prefetch = 0 : i64, scratch_operands = 0 : i64, tpu.core_type = #tpu.core_type<tc>, window_params = [{transform_indices = @transform_0, window_bounds = array<i64: 1024, 4096>}, {pipeline_mode = #tpu.pipeline_mode<synchronous>, transform_indices = @transform_1, window_bounds = array<i64: 256, 4096>}, {pipeline_mode = #tpu.pipeline_mode<synchronous>, transform_indices = @transform_2, window_bounds = array<i64: 1, 256>}, {transform_indices = @transform_3, window_bounds = array<i64: 1024, 128>}, {transform_indices = @transform_4, window_bounds = array<i64: 1, 1>}]} {
    %get3A = arith.constant 0 : index
    %get3A_0 = arith.constant 0 : index
    %get3A_1 = vector.load %arg1[%get3A, %get3A_0] : memref<1024x4096xbf16, #tpu.memory_space<vmem>>, vector<1024x4096xbf16>
    %get3A_2 = arith.constant 0 : index
    %get3A_3 = arith.constant 0 : index
    %get3A_4 = vector.load %arg2[%get3A_2, %get3A_3] : memref<256x4096xbf16, #tpu.memory_space<vmem>>, vector<256x4096xbf16>
    %dot_general3A = arith.constant dense<0.000000e+00> : vector<1024x256xf32>
    %dot_general3A_5 = tpu.matmul %get3A_1, %get3A_4, %dot_general3A {dimension_numbers = #tpu.dot_dimension_numbers<[1], [1], [0], [0], [0, 0, 1, 0], [], []>, transpose_lhs_hint = false} : vector<1024x4096xbf16>, vector<256x4096xbf16>, vector<1024x256xf32> -> vector<1024x256xf32>
    %convert_element_type3A = arith.truncf %dot_general3A_5 : vector<1024x256xf32> to vector<1024x256xbf16>
    %convert_element_type3A_6 = arith.extf %convert_element_type3A : vector<1024x256xbf16> to vector<1024x256xf32>
    %get3A_7 = arith.constant 0 : index
    %get3A_8 = arith.constant 0 : index
    %get3A_9 = vector.load %arg3[%get3A_7, %get3A_8] : memref<1x256xbf16, #tpu.memory_space<vmem>>, vector<1x256xbf16>
    %convert_element_type3A_10 = arith.extf %get3A_9 : vector<1x256xbf16> to vector<1x256xf32>
    %add3A = vector.broadcast %convert_element_type3A_10 : vector<1x256xf32> to vector<1024x256xf32>
    %add3A_11 = arith.addf %convert_element_type3A_6, %add3A : vector<1024x256xf32>
    %convert_element_type3A_12 = arith.truncf %add3A_11 : vector<1024x256xf32> to vector<1024x256xbf16>
    %get3A_13 = arith.constant 0 : index
    %get3A_14 = arith.constant 0 : index
    %get3A_15 = vector.load %arg4[%get3A_13, %get3A_14] : memref<1024x128xi32, #tpu.memory_space<vmem>>, vector<1024x128xi32>
    %shift_left3A = arith.constant 16 : i32
    %shift_left3A_16 = vector.broadcast %shift_left3A : i32 to vector<1024x128xi32>
    %shift_left3A_17 = arith.shli %get3A_15, %shift_left3A_16 : vector<1024x128xi32>
    %bitcast3A = tpu.bitcast %shift_left3A_17 : vector<1024x128xi32> -> vector<1024x128xf32>
    %and3A = arith.constant -65536 : i32
    %and3A_18 = vector.broadcast %and3A : i32 to vector<1024x128xi32>
    %and3A_19 = arith.andi %get3A_15, %and3A_18 : vector<1024x128xi32>
    %bitcast3A_20 = tpu.bitcast %and3A_19 : vector<1024x128xi32> -> vector<1024x128xf32>
    %slice3A = vector.extract_strided_slice %convert_element_type3A_12 {offsets = [0, 0], sizes = [1024, 128], strides = [1, 1]} : vector<1024x256xbf16> to vector<1024x128xbf16>
    %convert_element_type3A_21 = arith.extf %slice3A : vector<1024x128xbf16> to vector<1024x128xf32>
    %slice3A_22 = vector.extract_strided_slice %convert_element_type3A_12 {offsets = [0, 128], sizes = [1024, 128], strides = [1, 1]} : vector<1024x256xbf16> to vector<1024x128xbf16>
    %convert_element_type3A_23 = arith.extf %slice3A_22 : vector<1024x128xbf16> to vector<1024x128xf32>
    %sub3A = arith.subf %convert_element_type3A_21, %bitcast3A : vector<1024x128xf32>
    %convert_element_type3A_24 = arith.truncf %sub3A : vector<1024x128xf32> to vector<1024x128xbf16>
    %convert_element_type3A_25 = arith.extf %convert_element_type3A_24 : vector<1024x128xbf16> to vector<1024x128xf32>
    %sub3A_26 = arith.subf %convert_element_type3A_23, %bitcast3A_20 : vector<1024x128xf32>
    %convert_element_type3A_27 = arith.truncf %sub3A_26 : vector<1024x128xf32> to vector<1024x128xbf16>
    %convert_element_type3A_28 = arith.extf %convert_element_type3A_27 : vector<1024x128xbf16> to vector<1024x128xf32>
    %mul3A = arith.mulf %convert_element_type3A_25, %convert_element_type3A_25 : vector<1024x128xf32>
    %convert_element_type3A_29 = arith.truncf %mul3A : vector<1024x128xf32> to vector<1024x128xbf16>
    %convert_element_type3A_30 = arith.extf %convert_element_type3A_29 : vector<1024x128xbf16> to vector<1024x128xf32>
    %reduce_sum3A = vector.shape_cast %convert_element_type3A_30 : vector<1024x128xf32> to vector<1x1024x128xf32>
    %reduce_sum3A_31 = arith.constant dense<0.000000e+00> : vector<1xf32>
    %reduce_sum3A_32 = vector.multi_reduction <add>, %reduce_sum3A, %reduce_sum3A_31 [1, 2] : vector<1x1024x128xf32> to vector<1xf32>
    %reduce_sum3A_33 = vector.shape_cast %reduce_sum3A_32 : vector<1xf32> to vector<1x1x1xf32>
    %reduce_sum3A_34 = vector.extract %reduce_sum3A_33[0, 0, 0] : f32 from vector<1x1x1xf32>
    %mul3A_35 = arith.mulf %convert_element_type3A_28, %convert_element_type3A_28 : vector<1024x128xf32>
    %convert_element_type3A_36 = arith.truncf %mul3A_35 : vector<1024x128xf32> to vector<1024x128xbf16>
    %convert_element_type3A_37 = arith.extf %convert_element_type3A_36 : vector<1024x128xbf16> to vector<1024x128xf32>
    %reduce_sum3A_38 = vector.shape_cast %convert_element_type3A_37 : vector<1024x128xf32> to vector<1x1024x128xf32>
    %reduce_sum3A_39 = arith.constant dense<0.000000e+00> : vector<1xf32>
    %reduce_sum3A_40 = vector.multi_reduction <add>, %reduce_sum3A_38, %reduce_sum3A_39 [1, 2] : vector<1x1024x128xf32> to vector<1xf32>
    %reduce_sum3A_41 = vector.shape_cast %reduce_sum3A_40 : vector<1xf32> to vector<1x1x1xf32>
    %reduce_sum3A_42 = vector.extract %reduce_sum3A_41[0, 0, 0] : f32 from vector<1x1x1xf32>
    %add3A_43 = arith.addf %reduce_sum3A_34, %reduce_sum3A_42 : f32
    %eq3A = arith.constant 0 : i32
    %eq3A_44 = arith.cmpi eq, %arg0, %eq3A : i32
    %convert_element_type3A_45 = arith.extui %eq3A_44 : i1 to i32
    %cond3A = arith.constant 0 : i32
    %cond3A_46 = arith.cmpi ne, %convert_element_type3A_45, %cond3A : i32
    scf.if %cond3A_46 {
      %swap3A_58 = arith.constant 0.000000e+00 : f32
      %swap3A_59 = arith.constant 0 : index
      %swap3A_60 = arith.constant 0 : index
      %swap3A_61 = memref.load %arg5[%swap3A_59, %swap3A_60] : memref<1x1xf32, #tpu.memory_space<smem>>
      memref.store %swap3A_58, %arg5[%swap3A_59, %swap3A_60] : memref<1x1xf32, #tpu.memory_space<smem>>
    } else {
    }
    %get3A_47 = arith.constant 0 : index
    %get3A_48 = arith.constant 0 : index
    %get3A_49 = memref.load %arg5[%get3A_47, %get3A_48] : memref<1x1xf32, #tpu.memory_space<smem>>
    %add3A_50 = arith.addf %get3A_49, %add3A_43 : f32
    %swap3A = arith.constant 0 : index
    %swap3A_51 = arith.constant 0 : index
    %swap3A_52 = memref.load %arg5[%swap3A, %swap3A_51] : memref<1x1xf32, #tpu.memory_space<smem>>
    memref.store %add3A_50, %arg5[%swap3A, %swap3A_51] : memref<1x1xf32, #tpu.memory_space<smem>>
    %eq3A_53 = arith.constant 7 : i32
    %eq3A_54 = arith.cmpi eq, %arg0, %eq3A_53 : i32
    %convert_element_type3A_55 = arith.extui %eq3A_54 : i1 to i32
    %cond3A_56 = arith.constant 0 : i32
    %cond3A_57 = arith.cmpi ne, %convert_element_type3A_55, %cond3A_56 : i32
    scf.if %cond3A_57 {
      %get3A_58 = arith.constant 0 : index
      %get3A_59 = arith.constant 0 : index
      %get3A_60 = memref.load %arg5[%get3A_58, %get3A_59] : memref<1x1xf32, #tpu.memory_space<smem>>
      %mul3A_61 = arith.constant 4.76837158E-7 : f32
      %mul3A_62 = arith.mulf %get3A_60, %mul3A_61 : f32
      %swap3A_63 = arith.constant 0 : index
      %swap3A_64 = arith.constant 0 : index
      %swap3A_65 = memref.load %arg5[%swap3A_63, %swap3A_64] : memref<1x1xf32, #tpu.memory_space<smem>>
      memref.store %mul3A_62, %arg5[%swap3A_63, %swap3A_64] : memref<1x1xf32, #tpu.memory_space<smem>>
    } else {
    }
    return
  }
  func.func @transform_0(%arg0: i32) -> (i32, i32) {
    %c0_i32 = arith.constant 0 : i32
    %c0_i32_0 = arith.constant 0 : i32
    return %arg0, %c0_i32 : i32, i32
  }
  func.func @transform_1(%arg0: i32) -> (i32, i32) {
    %c0_i32 = arith.constant 0 : i32
    %c0_i32_0 = arith.constant 0 : i32
    %c0_i32_1 = arith.constant 0 : i32
    return %c0_i32, %c0_i32_0 : i32, i32
  }
  func.func @transform_2(%arg0: i32) -> (i32, i32) {
    %c0_i32 = arith.constant 0 : i32
    %c0_i32_0 = arith.constant 0 : i32
    %c0_i32_1 = arith.constant 0 : i32
    return %c0_i32, %c0_i32_0 : i32, i32
  }
  func.func @transform_3(%arg0: i32) -> (i32, i32) {
    %c0_i32 = arith.constant 0 : i32
    %c0_i32_0 = arith.constant 0 : i32
    return %arg0, %c0_i32 : i32, i32
  }
  func.func @transform_4(%arg0: i32) -> (i32, i32) {
    %c0_i32 = arith.constant 0 : i32
    %c0_i32_0 = arith.constant 0 : i32
    %c0_i32_1 = arith.constant 0 : i32
    return %c0_i32, %c0_i32_0 : i32, i32
  }
}

</mosaic_0001>

<sc_bundles>
// kernel: kernel.5.cloned.1.call-start
scs
__scs_entry_jumppad:
0x0: {  	(pc) =	sbr.rel $0x88, $3  }
0x1: {  	(tag) =	ssettag $0x0;
	lr =	simm.s32 $0x1  }
0x2: {  	[smem:$0x3F9C] =	sst lr;
	_ =	strace $0xD0000000  }
0x3: {  	_ = 	snop  }
0x4: {  	_ = 	snop  }
0x5: {  	_ = 	snop  }
0x6: {  	_ = 	snop  }
0x7: {  	_ = 	snop  }
__scs_overlays_trampoline_lowered:
0x8: {  	[smem:$0x3FAB] =	sst s0  }
0x9: {  	[smem:$0x3FAC] =	sst s1  }
0xa: {  	[smem:$0x3FAD] =	sst s2  }
0xb: {  	[smem:$0x3FAE] =	sst s3  }
0xc: {  	[smem:$0x3FAF] =	sst s4  }
0xd: {  	[smem:$0x3FB0] =	sst s5  }
0xe: {  	[smem:$0x3FB1] =	sst s6  }
0xf: {  	[smem:$0x3FB2] =	sst s7  }
0x10: {  	[smem:$0x3FB3] =	sst s8  }
0x11: {  	[smem:$0x3FB4] =	sst s9;
	s0 =	simm.s32 @!p0 $0x0  }
0x12: {  	s1 =	sld [smem:$0x3F9A];
	s0 =	simm.s32 @p0 $0x1  }
0x13: {  	[smem:$0x3FB5] =	sst s0;
	s0 =	simm.s32 @!p1 $0x0  }
0x14: {  	s2 =	sld [smem:$0x3F99];
	s0 =	simm.s32 @p1 $0x1  }
0x15: {  	[smem:$0x3FB6] =	sst s0;
	s0 =	simm.s32 @!p2 $0x0  }
0x16: {  	s3 =	sld [smem:$0x3FDB];
	s0 =	simm.s32 @p2 $0x1  }
0x17: {  	s4 =	simm.s32 $0x1BF5;
	[smem:$0x3FB8] =	sst s0  }
0x18: {  	s0 =	sld [smem:$0x3F9B];
	_ =	swait.ge [sflag:s4], $0x0  }
0x19: {  	s7 =	sld [smem:$0x3F9C]  }
0x1a: {  	s8 =	sadd.s32 $0xFFFFE003, lr  }
0x1b: {  	s9 =	sadd.s32 $0xFFFFFEF7, lr;
	s5 =	simm.s32 $0xFFFFFFFF;
	p2 =	slt.u32 s8, $0xFFFFF086  }
0x1c: {  	p1 =	slt.u32 s9, $0xF7A;
	s5 =	simm.s32 @!p2 $0x0  }
0x1d: {  	s5 =	simm.s32 @p1 $0x1;
	p0 =	seq.s32 s7, s2  }
0x1e: {  	s7 =	smul.u32 @!p0 $0xF7A, s2;
	p2 =	seq.s32 @!p0 s5, $0x0  }
0x1f: {  	s9 =	smul.u32 $0xF7A, s1;
	s8 =	simm.s32 @!p0 $0x1BF5;
	p2 =	por !p2, p0  }
0x20: {  	[sflag:s8] =	ssyncset.s32 @!p0 $0xFFFFF086;
	s6 =	sadd.s32 @!p0 s3, s7;
	s7 =	simm.s32 @!p0 $0x108  }
0x21: {  	s3 =	sadd.s32 s3, s9;
	s6 =	sadd.s32 @!p0 $0x88, s6;
	s7 =	simm.s32 @p2 $0x1082  }
0x22: {  	[simem:s7], [sflag:s8] =	dma.local @!p0 [hbm:s6], $0xF7A  }
0x23: {  	s9 =	sor.u32 $0xD0000000, s2;
	s6 =	simm.s32 $0x108;
	_ =	swait.ge @!p0 [sflag:s8], $0x0  }
0x24: {  	s3 =	sadd.s32 $0x88, s3;
	s6 =	simm.s32 @!p1 $0x1082;
	[sflag:s4] =	ssyncset.s32 $0xFFFFF086  }
0x25: {  	[simem:s6], [sflag:s4] =	dma.local [hbm:s3], $0xF7A  }
0x26: {  	[smem:$0x3F9C] =	sst s1;
	(tag) =	ssettag s2;
	_ =	strace s9  }
0x27: {  	s1 =	sld [smem:$0x3FAC]  }
0x28: {  	s2 =	sld [smem:$0x3FAD]  }
0x29: {  	s4 =	sld [smem:$0x3FAF]  }
0x2a: {  	p0 =	seq.s32 s5, $0x0;
	s5 =	sld [smem:$0x3FB0]  }
0x2b: {  	s6 =	sld [smem:$0x3FB1]  }
0x2c: {  	s7 =	sld [smem:$0x3FB2]  }
0x2d: {  	s3 =	simm.s32 $0x108;
	s8 =	sld [smem:$0x3FB3]  }
0x2e: {  	s3 =	simm.s32 @!p0 $0x1082;
	s9 =	sld [smem:$0x3FB4]  }
0x2f: {  	lr =	sadd.s32 s0, s3;
	s0 =	sld [smem:$0x3FAB]  }
0x30: {  	s3 =	sld [smem:$0x3FAE]  }
0x31: {  	[smem:$0x3FB7] =	sst s10  }
0x32: {  	s10 =	sld [smem:$0x3FB5];
	_ =	sdelay $0x3  }
0x33: {  	p0 =	seq.s32 s10, $0x1;
	s10 =	sld [smem:$0x3FB7];
	_ =	sdelay $0x3  }
0x34: {  	[smem:$0x3FB7] =	sst s10  }
0x35: {  	s10 =	sld [smem:$0x3FB6];
	_ =	sdelay $0x3  }
0x36: {  	p1 =	seq.s32 s10, $0x1;
	s10 =	sld [smem:$0x3FB7];
	_ =	sdelay $0x3  }
0x37: {  	[smem:$0x3FB7] =	sst s10  }
0x38: {  	s10 =	sld [smem:$0x3FB8]  }
0x39: {  	_ = 	snop;
	(pc) =	sbr.ind lr, $3  }
0x3a: {  	_ = 	snop  }
0x3b: {  	_ = 	snop  }
0x3c: {  	p2 =	seq.s32 s10, $0x1;
	s10 =	sld [smem:$0x3FB7]  }
0x3d: {  	_ =	shalt  }
0x3e: {  	_ =	shalt  }
0x3f: {  	_ =	shalt  }
0x40: {  	_ =	shalt  }
0x41: {  	_ =	shalt  }
0x42: {  	_ =	shalt  }
0x43: {  	_ =	shalt  }
0x44: {  	_ =	shalt  }
0x45: {  	_ =	shalt  }
0x46: {  	_ =	shalt  }
0x47: {  	_ =	shalt  }
0x48: {  	_ =	shalt  }
0x49: {  	_ =	shalt  }
0x4a: {  	_ =	shalt  }
0x4b: {  	_ =	shalt  }
0x4c: {  	_ =	shalt  }
0x4d: {  	_ =	shalt  }
0x4e: {  	_ =	shalt  }
0x4f: {  	_ =	shalt  }
0x50: {  	_ =	shalt  }
0x51: {  	_ =	shalt  }
0x52: {  	_ =	shalt  }
0x53: {  	_ =	shalt  }
0x54: {  	_ =	shalt  }
0x55: {  	_ =	shalt  }
0x56: {  	_ =	shalt  }
0x57: {  	_ =	shalt  }
0x58: {  	_ =	shalt  }
0x59: {  	_ =	shalt  }
0x5a: {  	_ =	shalt  }
0x5b: {  	_ =	shalt  }
0x5c: {  	_ =	shalt  }
0x5d: {  	_ =	shalt  }
0x5e: {  	_ =	shalt  }
0x5f: {  	_ =	shalt  }
0x60: {  	_ =	shalt  }
0x61: {  	_ =	shalt  }
0x62: {  	_ =	shalt  }
0x63: {  	_ =	shalt  }
0x64: {  	_ =	shalt  }
0x65: {  	_ =	shalt  }
0x66: {  	_ =	shalt  }
0x67: {  	_ =	shalt  }
0x68: {  	_ =	shalt  }
0x69: {  	_ =	shalt  }
0x6a: {  	_ =	shalt  }
0x6b: {  	_ =	shalt  }
0x6c: {  	_ =	shalt  }
0x6d: {  	_ =	shalt  }
0x6e: {  	_ =	shalt  }
0x6f: {  	_ =	shalt  }
0x70: {  	_ =	shalt  }
0x71: {  	_ =	shalt  }
0x72: {  	_ =	shalt  }
0x73: {  	_ =	shalt  }
0x74: {  	_ =	shalt  }
0x75: {  	_ =	shalt  }
0x76: {  	_ =	shalt  }
0x77: {  	_ =	shalt  }
0x78: {  	_ =	shalt  }
0x79: {  	_ =	shalt  }
0x7a: {  	_ =	shalt  }
0x7b: {  	_ =	shalt  }
0x7c: {  	_ =	shalt  }
0x7d: {  	_ =	shalt  }
0x7e: {  	_ =	shalt  }
0x7f: {  	_ =	shalt  }
0x80: {  	_ =	shalt  }
0x81: {  	_ =	shalt  }
0x82: {  	_ =	shalt  }
0x83: {  	_ =	shalt  }
0x84: {  	_ =	shalt  }
0x85: {  	_ =	shalt  }
0x86: {  	_ =	shalt  }
0x87: {  	_ =	shalt  }
.Lfunc_end0:
.L_simem_size_0:
called_computation_lowered:
.L_overlay_start_0:
0x88: {  	s2 =	sld [smem:$0x3FD9]  }
0x89: {  	s3 =	sld [smem:$0x3FFE];
	_ =	sdelay $0x1  }
0x8a: {  	s1 =	srdreg.scid  }
0x8b: {  	s0 =	sand.u32 $0x1, s1  }
0x8c: {  	s16 =	sshll.u32 s0, $0xA;
	s2 =	sadd.s32 s3, s2  }
0x8d: {  	s2 =	sadd.s32 s2, s16  }
0x8e: {  	[smem:$0x3FC3] =	sst s2  }
0x8f: {  	_ = 	snop  }
0x90: {  	(tm) =	ssettm $0x1  }
0x91: {  	s17 =	sld [smem:$0x3FFB];
	_ =	sdelay $0x3  }
0x92: {  	_ =	strace s17  }
0x93: {  	s2 =	sld [smem:$0x3FFC];
	_ =	sdelay $0x3  }
0x94: {  	_ =	strace s2  }
0x95: {  	s2 =	sld [smem:$0x3FFD];
	_ =	sdelay $0x3  }
0x96: {  	_ =	strace s2  }
0x97: {  	_ =	strace $0x8FFFFFFF  }
0x98: {  	s18 =	sld [smem:$0x3FDB];
	_ =	sdelay $0x1  }
0x99: {  	s19 =	simm.s32 $_scs_section_size  }
0x9a: {  	s4 =	simm.s32 $_size__tile_overlayer_lowered;
	s5 =	simm.s32 $_tile_overlayer_lowered  }
0x9b: {  	s22 =	simm.s32 $0x1BFF;
	s21 =	sshll.u32 s5, $0x1;
	s2 =	sadd.s32 s19, s18  }
0x9c: {  	s6 =	simm.s32 $0x0;
	s20 =	sshll.u32 s4, $0x1;
	s4 =	sadd.s32 s21, s2  }
0x9d: {  	[timem:s6], [sflag:s22] =	dma.local [hbm:s4], s20  }
0x9e: {  	_ =	swait.ge [sflag:s22], s20  }
0x9f: {  	s3 =	ssub.s32 $0x0, s20;
	[sflag:s22] =	ssyncset.done $0x0  }
0xa0: {  	[sflag:s22] =	ssyncadd.s32 s3;
	_ =	sdelay $0x1  }
0xa1: {  	s23 =	simm.s32 $0x1B8B  }
0xa2: {  	_ =	swait.ge [sflag:s23], $0x1  }
0xa3: {  	[sflag:s23] =	ssyncset.done $0x0  }
0xa4: {  	s25 =	simm.s32 $0x1B8E;
	s24 =	sld [smem:$0x3FFE];
	[sflag:s23] =	ssyncadd.s32 $0xFFFFFFFF  }
0xa5: {  	s26 =	simm.s32 $execute0_lowered;
	[smem:$0x3FD2] =	sst s25  }
0xa6: {  	s4 =	sshll.u32 s26, $0x1;
	_ =	strace $0x80000046;
	[dreg:$0x1] =	wrdreg $0xFFFFFFFF  }
0xa7: {  	s28 =	simm.s32 $_size_execute0_lowered;
	s2 =	sadd.s32 s2, s4;
	[dreg:$0x0] =	wrdreg $0x0  }
0xa8: {  	s4 =	sshll.u32 s28, $0x1;
	[dreg:$0x2] =	wrdreg s2  }
0xa9: {  	[dreg:$0x3] =	wrdreg s4  }
0xaa: {  	[dreg:$0x4] =	wrdreg $0xC0  }
0xab: {  	_ =	task [dreg:s6], $0x5FFFF  }
0xac: {  	[dreg:$0x1] =	wrdreg $0xFFFFFFFF  }
0xad: {  	[dreg:$0x0] =	wrdreg $0x60  }
0xae: {  	[dreg:$0x2] =	wrdreg s24  }
0xaf: {  	[dreg:$0x3] =	wrdreg $0x9  }
0xb0: {  	_ =	task.clear_ibuf [dreg:s6], $0x4FFFF;
	_ =	strace $0x90000046  }
0xb1: {  	s29 =	simm.s32 $0x9;
	_ =	strace $0x80000048  }
0xb2: {  	_ =	swait.ge [sflag:s29], $0x1  }
0xb3: {  	[sflag:s29] =	ssyncadd.s32 $0xFFFFFFFF  }
0xb4: {  	_ =	strace $0x90000048  }
0xb5: {  	_ =	sfence  }
0xb6: {  	s30 =	sld [smem:$0x0];
	_ =	sdelay $0x2  }
0xb7: {  	s31 =	sshll.u32 s1, $0xD;
	s1 =	sshrl.u32 s1, $0x2  }
0xb8: {  	s3 =	sand.u32 $0x4000, s31;
	s1 =	sadd.s32 s1, s30  }
0xb9: {  	s0 =	sor.u32 s3, s0;
	s1 =	sshll.u32 s1, $0x11  }
0xba: {  	s0 =	sor.u32 s1, s0  }
0xbb: {  	s0 =	sadd.s32 $0x8F2B, s0  }
0xbc: {  	[sflag:s0] =	ssyncadd.remote.s32 $0x1  }
0xbd: {  	_ =	sfence.sel $0xFFFF  }
0xbe: {  	[dreg:$0x0] =	wrdreg $0xFFFFFFFF;
	(pc) =	sbr.abs _section_cstart, $3  }
0xbf: {  	[dreg:$0x1] =	wrdreg $0xFFFFFFFF  }
0xc0: {  	_ =	task.clear_ibuf [dreg:s6], $0x2FFFF;
	_ =	strace $0x9FFFFFFF  }
0xc1: {  	(tm) =	ssettm $0x7FFFFFFF  }
tec
execute0_lowered:
.L_overlay_start_1:
0x0: {  	(tag) =	ssettag $0x1  }
0x1: {  	s1 =	srdreg.scid  }
0x2: {  	s0 =	stileid.u32;
	s10 =	sand.u32 $0x1, s1  }
0x3: {  	s29 =	sshll.u32 s0, $0x9;
	s2 =	sshll.u32 s10, $0x8  }
0x4: {  	s11 =	rddreg [dreg:$0x0];
	s12 =	sor.u32 s2, s29  }
0x5: {  	s1 =	rddreg [dreg:$0x1];
	s2 =	simm.s32 $0x0;
	s3 =	sshrl.u32 s12, $0x3  }
0x6: {  	[smem:$0x7FF] =	sst s2;
	s3 =	sadd.s32 s3, s11  }
0x7: {  	_ =	strace $0x80000047;
	s4 =	sadd.s32 $0x21000, s3;
	s3 =	simm.s32 $0x2  }
0x8: {  	[tilespmem:s2], [sflag:$0x2] =	stream.linear.gather [hbm4b:s4+s2], $0x100, $0x38;
	[tilespmem:$0x8100] =	vst v63  }
0x9: {  	_ =	swait.ge [sflag:s3], $0x100  }
0xa: {  	s6 =	simm.s32 $0x80;
	[sflag:s3] =	ssyncset.done $0x0  }
0xb: {  	s7 =	simm.s32 $0x100;
	s5 =	sadd.s32 $0x1000, s11;
	[sflag:s3] =	ssyncadd.s32 $0xFFFFFF00  }
0xc: {  	[tilespmem:s7], [sflag:$0x1] =	stream.indirect.gather [hbm4b:s5+s6], $0x80, s2, s6, $0xb8;
	[tilespmem:$0x8100] =	vst v63  }
0xd: {  	s8 =	simm.s32 $0x4100;
	s9 =	simm.s32 $0x1;
	s10 =	ssub.s32 $0x2, s10  }
0xe: {  	[tilespmem:s8], [sflag:$0x1] =	stream.indirect.gather [hbm4b:s5+s6], $0x80, s6, s6, $0xb8;
	[tilespmem:$0x8100] =	vst v63  }
0xf: {  	s13 =	sshrl.u32 s10, $0x1;
	_ =	swait.ge [sflag:s9], $0x4000  }
0x10: {  	s30 =	ssub.s32 s10, s13;
	[sflag:s9] =	ssyncset.done $0x0  }
0x11: {  	s31 =	smax.u32 s30, $0x1;
	[sflag:s9] =	ssyncadd.s32 $0xFFFFC000  }
0x12: {  	s12 =	sshll.u32 s12, $0x4;
	p0 =	sne.s32 s31, $0x1;
	_ =	swait.ge [sflag:s9], $0x4000  }
.Ltmp0:
0x13: {  	s11 =	sadd.s32 s12, s11;
	[sflag:s9] =	ssyncset.done $0x0;
	(pc) =	sbr.rel @!p0 .LBB2_2-.Ltmp0, $4  }
0x14: {  	s10 =	sadd.s32 $0x21400, s11;
	[sflag:s9] =	ssyncadd.s32 $0xFFFFC000  }
0x15: {  	[hbm4b:s10+s2] =	stream.linear.scatter [tilespmem:s7], [sflag:$0x2], $0x8000, $0x38;
	[tilespmem:$0x8100] =	vst v63  }
0x16: {  	_ =	swait.ge [sflag:s3], $0x8000  }
0x17: {  	s11 =	sadd.s32 $0xFFFFFFFF, s31;
	[sflag:s3] =	ssyncset.done $0x0  }
.LBB2_1:
0x18: {  	p0 =	sne.s32 s11, $0x1;
	s11 =	sadd.s32 $0xFFFFFFFF, s11;
	[sflag:s3] =	ssyncadd.s32 $0xFFFF8000  }
0x19: {  	[tilespmem:s2], [sflag:$0x2] =	stream.linear.gather [hbm4b:s4+s2], $0x100, $0x38;
	[tilespmem:$0x8100] =	vst v63  }
0x1a: {  	_ =	swait.ge [sflag:s3], $0x100  }
0x1b: {  	[sflag:s3] =	ssyncset.done $0x0  }
0x1c: {  	[sflag:s3] =	ssyncadd.s32 $0xFFFFFF00  }
0x1d: {  	[tilespmem:s7], [sflag:$0x1] =	stream.indirect.gather [hbm4b:s5+s6], $0x80, s2, s6, $0xb8;
	[tilespmem:$0x8100] =	vst v63  }
0x1e: {  	_ = 	snop  }
0x1f: {  	[tilespmem:s8], [sflag:$0x1] =	stream.indirect.gather [hbm4b:s5+s6], $0x80, s6, s6, $0xb8;
	[tilespmem:$0x8100] =	vst v63  }
0x20: {  	_ =	swait.ge [sflag:s9], $0x4000  }
0x21: {  	[sflag:s9] =	ssyncset.done $0x0  }
0x22: {  	[sflag:s9] =	ssyncadd.s32 $0xFFFFC000  }
0x23: {  	_ =	swait.ge [sflag:s9], $0x4000  }
.Ltmp1:
0x24: {  	[sflag:s9] =	ssyncset.done $0x0;
	(pc) =	sbr.rel @p0 .LBB2_1-.Ltmp1, $4  }
0x25: {  	[sflag:s9] =	ssyncadd.s32 $0xFFFFC000  }
0x26: {  	[hbm4b:s10+s2] =	stream.linear.scatter [tilespmem:s7], [sflag:$0x2], $0x8000, $0x38;
	[tilespmem:$0x8100] =	vst v63  }
0x27: {  	_ =	swait.ge [sflag:s3], $0x8000  }
0x28: {  	[sflag:s3] =	ssyncset.done $0x0  }
.LBB2_2:
0x29: {  	[sflag:s3] =	ssyncadd.s32 $0xFFFF8000  }
0x2a: {  	_ =	sfence.sel $0x180000  }
0x2b: {  	[bflag:$0x0] =	sbarrier.arrive $0xFFFF  }
0x2c: {  	p0 =	sne.s32 s0, $0x0;
	_ =	strace $0x90000047  }
0x2d: {  	s0 =	sadd.s32 @!p0 $0x100000, s1;
	[bflag:$0x2] =	sbarrier.arrive $0xFFFF  }
0x2e: {  	[sflag:s0] =	ssyncadd.tile.s32 @!p0 $0x1;
	_ =	shalt  }
.Lfunc_end2:
_tile_overlayer_lowered:
.L_overlay_start_2:
0x2f: {  	(tag) =	ssettag $0x2  }
0x30: {  	s0 =	rddreg [dreg:$0x0];
	s2 =	stileid.u32  }
0x31: {  	s1 =	rddreg [dreg:$0x1];
	p0 =	sne.s32 s2, $0x0  }
0x32: {  	s3 =	rddreg [dreg:$0x2];
	[bflag:$0x3] =	sbarrier.arrive $0xFFFF;
	s2 =	simm.s32 @!p0 $0x1C02  }
0x33: {  	[timem:s3], [sflag:s2] =	dma.local @!p0 [hbm:s0], s1  }
0x34: {  	s0 =	simm.s32 @!p0 $0x2  }
0x35: {  	_ =	swait.ge @!p0 [sflag:s0], s1  }
0x36: {  	s1 =	ssub.s32 @!p0 $0x0, s1;
	[sflag:s0] =	ssyncset.done @!p0 $0x0  }
0x37: {  	[sflag:s0] =	ssyncadd.s32 @!p0 s1  }
0x38: {  	[bflag:$0x3] =	sbarrier.arrive $0xFFFF  }
0x39: {  	_ =	shalt  }

</sc_bundles>
